<compile_context>
chip_gen: v7x
topology: tpu7x:2x2x1
jax: 0.10.2.dev20260603
libtpu: 0.0.44.dev20260713+nightly
codegen_flags: <defaults>
</compile_context>

<pallas_src>
import jax
import jax.numpy as jnp
from jax import lax
from jax.experimental import pallas as pl
from jax.experimental.pallas import tpu as pltpu
from jax.experimental.pallas import tpu_sc as plsc

NC = 2
NS = 16
NW = NC * NS
B = 4096 * 200
D = 128
BPW = B // NW
CH = 160
NCHUNK = BPW // CH
NBUF = 5
NSUPER = NCHUNK // NBUF


def _body(actions_hbm, table_hbm, out_hbm, idx_v, bufs, gsems, osems):
    wid = lax.axis_index("s") * NC + lax.axis_index("c")
    base = wid * BPW
    pltpu.sync_copy(actions_hbm.at[pl.ds(base, BPW)], idx_v)

    def gather(g, j):
        pltpu.async_copy(
            table_hbm.at[idx_v.at[pl.ds(g * CH, CH)]], bufs[j], gsems[j])

    def put(g, j):
        pltpu.async_copy(
            bufs[j], out_hbm.at[pl.ds(base + g * CH, CH)], osems[j])

    def wait_gather(j):
        pltpu.make_async_copy(
            table_hbm.at[pl.ds(0, CH)], bufs[j], gsems[j]).wait()

    def wait_put(j):
        pltpu.make_async_copy(
            bufs[j], out_hbm.at[pl.ds(base, CH)], osems[j]).wait()

    for j in range(NBUF - 1):
        gather(j, j)

    def super_chunk(i, carry):
        g = i * NBUF
        for j in range(NBUF):
            wait_gather(j)
            put(g + j, j)
            jn = (j + NBUF - 1) % NBUF
            nxt = g + j + NBUF - 1
            prev_put_exists = (nxt - NBUF >= 0) if j > 0 else (i > 0)

            @pl.when(jnp.logical_and(prev_put_exists, nxt < NCHUNK))
            def _(jn=jn):
                wait_put(jn)

            @pl.when(nxt < NCHUNK)
            def _(nxt=nxt, jn=jn):
                gather(nxt, jn)
        return carry

    lax.fori_loop(0, NSUPER, super_chunk, 0)
    for j in range(NBUF):
        wait_put(j)


@jax.jit
def kernel(actions, table):
    flat = actions.reshape(-1).astype(jnp.int32)

    def body(actions_hbm, table_hbm, out_hbm, idx_v, *rest):
        bufs = list(rest[:NBUF])
        gsems = list(rest[NBUF:2 * NBUF])
        osems = list(rest[2 * NBUF:3 * NBUF])
        _body(actions_hbm, table_hbm, out_hbm, idx_v, bufs, gsems, osems)

    out = pl.kernel(
        body,
        out_type=jax.ShapeDtypeStruct((B, D), jnp.float32),
        mesh=plsc.VectorSubcoreMesh(
            core_axis_name="c", subcore_axis_name="s",
            num_cores=NC, num_subcores=NS,
        ),
        scratch_types=(
            [pltpu.VMEM((BPW,), jnp.int32)]
            + [pltpu.VMEM((CH, D), jnp.float32)] * NBUF
            + [pltpu.SemaphoreType.DMA] * (2 * NBUF)
        ),
    )(flat, table)
    return out.reshape(actions.shape[0], actions.shape[1], D)

# --- scband reference (transcript-rebuilt; emitter-appended) ---
"""Pipeline reference for scband-tokenizer-2671469658526 (READ-ONLY COPY).

The authoritative reference and input builder live on the scoring server;
editing this copy changes nothing except your own understanding.
"""

import jax, jax.numpy as jnp
import numpy as np

NUM_ACTIONS = 100000
D_MODEL = 128

def setup_inputs(seed: int = 0) -> dict:
    key = jax.random.key(seed)
    k1, k2 = jax.random.split(key)
    actions = jax.random.randint(k1, (4096, 200), 0, NUM_ACTIONS, dtype=jnp.int64 if jax.config.read('jax_enable_x64') else jnp.int32)
    table = jax.random.normal(k2, (NUM_ACTIONS, D_MODEL), dtype=jnp.float32)
    return {"actions": actions, "table": table}

def reference(actions, table):
    # Faithful translation of Tokenizer.forward with allow_invalid=False (default):
    # a plain embedding lookup.
    return jnp.take(table, actions, axis=0)

if __name__ == "__main__":
    import jax
    _d = setup_inputs()
    print(jax.jit(kernel)(*tuple(_d.values())))

</pallas_src>

<mosaic_0001>
#map = affine_map<(d0, d1) -> (0)>
#map1 = affine_map<(d0, d1) -> (0, 0)>
module attributes {stable_mosaic.version = 14 : i64} {
  func.func @body(%arg0: i32, %arg1: i32, %arg2: memref<819200xi32, #tpu.memory_space<hbm>>, %arg3: memref<100000x128xf32, #tpu.memory_space<hbm>>, %arg4: memref<819200x128xf32, #tpu.memory_space<hbm>>, %arg5: memref<25600xi32, #tpu.memory_space<vmem>>, %arg6: memref<160x128xf32, #tpu.memory_space<vmem>>, %arg7: memref<160x128xf32, #tpu.memory_space<vmem>>, %arg8: memref<160x128xf32, #tpu.memory_space<vmem>>, %arg9: memref<160x128xf32, #tpu.memory_space<vmem>>, %arg10: memref<160x128xf32, #tpu.memory_space<vmem>>, %arg11: memref<!tpu.dma_semaphore, #tpu.memory_space<semaphore_mem>>, %arg12: memref<!tpu.dma_semaphore, #tpu.memory_space<semaphore_mem>>, %arg13: memref<!tpu.dma_semaphore, #tpu.memory_space<semaphore_mem>>, %arg14: memref<!tpu.dma_semaphore, #tpu.memory_space<semaphore_mem>>, %arg15: memref<!tpu.dma_semaphore, #tpu.memory_space<semaphore_mem>>, %arg16: memref<!tpu.dma_semaphore, #tpu.memory_space<semaphore_mem>>, %arg17: memref<!tpu.dma_semaphore, #tpu.memory_space<semaphore_mem>>, %arg18: memref<!tpu.dma_semaphore, #tpu.memory_space<semaphore_mem>>, %arg19: memref<!tpu.dma_semaphore, #tpu.memory_space<semaphore_mem>>, %arg20: memref<!tpu.dma_semaphore, #tpu.memory_space<semaphore_mem>>) attributes {dimension_semantics = [#tpu.dimension_semantics<core_parallel>, #tpu.dimension_semantics<subcore_parallel>], iteration_bounds = array<i64: 2, 16>, scalar_prefetch = 0 : i64, scratch_operands = 16 : i64, tpu.core_type = #tpu.core_type<sc_vector_subcore>, window_params = [{transform_indices = #map}, {transform_indices = #map1}, {transform_indices = #map1}]} {
    %mul3A = arith.constant 2 : i32
    %mul3A_0 = arith.muli %arg1, %mul3A : i32
    %add3A = arith.addi %mul3A_0, %arg0 : i32
    %mul3A_1 = arith.constant 25600 : i32
    %mul3A_2 = arith.muli %add3A, %mul3A_1 : i32
    "tpu.region"() ({
      %run_scoped3A = tpu.sem_alloc : memref<!tpu.dma_semaphore, #tpu.memory_space<semaphore_mem>>
      %dma_start3A_46 = tpu.memref_slice %arg2[%mul3A_2] : memref<819200xi32, #tpu.memory_space<hbm>> -> memref<25600xi32, #tpu.memory_space<hbm>>
      %dma_start3A_47 = tpu.memref_slice %arg2[%mul3A_2] : memref<819200xi32, #tpu.memory_space<hbm>> -> memref<25600xi32, #tpu.memory_space<hbm>>
      tpu.enqueue_dma source(%dma_start3A_47 : memref<25600xi32, #tpu.memory_space<hbm>>) target(%arg5 : memref<25600xi32, #tpu.memory_space<vmem>>) target_semaphore(%run_scoped3A : memref<!tpu.dma_semaphore, #tpu.memory_space<semaphore_mem>>)
      %dma_wait3A_48 = tpu.memref_slice %arg2[%mul3A_2] : memref<819200xi32, #tpu.memory_space<hbm>> -> memref<25600xi32, #tpu.memory_space<hbm>>
      %dma_wait3A_49 = tpu.memref_slice %arg2[%mul3A_2] : memref<819200xi32, #tpu.memory_space<hbm>> -> memref<25600xi32, #tpu.memory_space<hbm>>
      tpu.wait_dma2 semaphore(%run_scoped3A : memref<!tpu.dma_semaphore, #tpu.memory_space<semaphore_mem>>) src(%dma_wait3A_49 : memref<25600xi32, #tpu.memory_space<hbm>>) dst(%arg5 : memref<25600xi32, #tpu.memory_space<vmem>>)
      tpu.yield
    }) : () -> ()
    %dma_start3A = arith.constant 0 : i32
    %dma_start3A_3 = tpu.memref_slice %arg5[%dma_start3A] : memref<25600xi32, #tpu.memory_space<vmem>> -> memref<160xi32, #tpu.memory_space<vmem>>
    %dma_start3A_4 = arith.constant 0 : i32
    %dma_start3A_5 = arith.constant 0 : i32
    %dma_start3A_6 = tpu.memref_slice %arg3[%dma_start3A_4, %dma_start3A_5] : memref<100000x128xf32, #tpu.memory_space<hbm>> -> memref<100000x128xf32, #tpu.memory_space<hbm>>
    tpu.enqueue_indirect_dma source(%dma_start3A_6 : memref<100000x128xf32, #tpu.memory_space<hbm>>) target(%arg6 : memref<160x128xf32, #tpu.memory_space<vmem>>) offsets(%dma_start3A_3 : memref<160xi32, #tpu.memory_space<vmem>>) semaphore(%arg11 : memref<!tpu.dma_semaphore, #tpu.memory_space<semaphore_mem>>)
    %dma_start3A_7 = arith.constant 160 : i32
    %dma_start3A_8 = tpu.memref_slice %arg5[%dma_start3A_7] : memref<25600xi32, #tpu.memory_space<vmem>> -> memref<160xi32, #tpu.memory_space<vmem>>
    %dma_start3A_9 = arith.constant 0 : i32
    %dma_start3A_10 = arith.constant 0 : i32
    %dma_start3A_11 = tpu.memref_slice %arg3[%dma_start3A_9, %dma_start3A_10] : memref<100000x128xf32, #tpu.memory_space<hbm>> -> memref<100000x128xf32, #tpu.memory_space<hbm>>
    tpu.enqueue_indirect_dma source(%dma_start3A_11 : memref<100000x128xf32, #tpu.memory_space<hbm>>) target(%arg7 : memref<160x128xf32, #tpu.memory_space<vmem>>) offsets(%dma_start3A_8 : memref<160xi32, #tpu.memory_space<vmem>>) semaphore(%arg12 : memref<!tpu.dma_semaphore, #tpu.memory_space<semaphore_mem>>)
    %dma_start3A_12 = arith.constant 320 : i32
    %dma_start3A_13 = tpu.memref_slice %arg5[%dma_start3A_12] : memref<25600xi32, #tpu.memory_space<vmem>> -> memref<160xi32, #tpu.memory_space<vmem>>
    %dma_start3A_14 = arith.constant 0 : i32
    %dma_start3A_15 = arith.constant 0 : i32
    %dma_start3A_16 = tpu.memref_slice %arg3[%dma_start3A_14, %dma_start3A_15] : memref<100000x128xf32, #tpu.memory_space<hbm>> -> memref<100000x128xf32, #tpu.memory_space<hbm>>
    tpu.enqueue_indirect_dma source(%dma_start3A_16 : memref<100000x128xf32, #tpu.memory_space<hbm>>) target(%arg8 : memref<160x128xf32, #tpu.memory_space<vmem>>) offsets(%dma_start3A_13 : memref<160xi32, #tpu.memory_space<vmem>>) semaphore(%arg13 : memref<!tpu.dma_semaphore, #tpu.memory_space<semaphore_mem>>)
    %dma_start3A_17 = arith.constant 480 : i32
    %dma_start3A_18 = tpu.memref_slice %arg5[%dma_start3A_17] : memref<25600xi32, #tpu.memory_space<vmem>> -> memref<160xi32, #tpu.memory_space<vmem>>
    %dma_start3A_19 = arith.constant 0 : i32
    %dma_start3A_20 = arith.constant 0 : i32
    %dma_start3A_21 = tpu.memref_slice %arg3[%dma_start3A_19, %dma_start3A_20] : memref<100000x128xf32, #tpu.memory_space<hbm>> -> memref<100000x128xf32, #tpu.memory_space<hbm>>
    tpu.enqueue_indirect_dma source(%dma_start3A_21 : memref<100000x128xf32, #tpu.memory_space<hbm>>) target(%arg9 : memref<160x128xf32, #tpu.memory_space<vmem>>) offsets(%dma_start3A_18 : memref<160xi32, #tpu.memory_space<vmem>>) semaphore(%arg14 : memref<!tpu.dma_semaphore, #tpu.memory_space<semaphore_mem>>)
    %scan3A = arith.constant 0 : i32
    %scan3A_22 = arith.constant 0 : i32
    %scan3A_23 = arith.constant 32 : i32
    %scan3A_24 = arith.addi %scan3A_22, %scan3A_23 : i32
    %scan3A_25 = arith.constant 1 : i32
    scf.for %scan3A_46 = %scan3A_22 to %scan3A_24 step %scan3A_25  : i32 {
      %mul3A_47 = arith.constant 5 : i32
      %mul3A_48 = arith.muli %scan3A_46, %mul3A_47 : i32
      %dma_wait3A_49 = arith.constant 0 : i32
      %dma_wait3A_50 = arith.constant 0 : i32
      %dma_wait3A_51 = tpu.memref_slice %arg3[%dma_wait3A_49, %dma_wait3A_50] : memref<100000x128xf32, #tpu.memory_space<hbm>> -> memref<160x128xf32, #tpu.memory_space<hbm>>
      %dma_wait3A_52 = arith.constant 0 : i32
      %dma_wait3A_53 = arith.constant 0 : i32
      %dma_wait3A_54 = tpu.memref_slice %arg3[%dma_wait3A_52, %dma_wait3A_53] : memref<100000x128xf32, #tpu.memory_space<hbm>> -> memref<160x128xf32, #tpu.memory_space<hbm>>
      tpu.wait_dma2 semaphore(%arg11 : memref<!tpu.dma_semaphore, #tpu.memory_space<semaphore_mem>>) src(%dma_wait3A_54 : memref<160x128xf32, #tpu.memory_space<hbm>>) dst(%arg6 : memref<160x128xf32, #tpu.memory_space<vmem>>)
      %add3A_55 = arith.constant 0 : i32
      %add3A_56 = arith.addi %mul3A_48, %add3A_55 : i32
      %mul3A_57 = arith.constant 160 : i32
      %mul3A_58 = arith.muli %add3A_56, %mul3A_57 : i32
      %add3A_59 = arith.addi %mul3A_2, %mul3A_58 : i32
      %dma_start3A_60 = arith.constant 0 : i32
      %dma_start3A_61 = tpu.memref_slice %arg4[%add3A_59, %dma_start3A_60] : memref<819200x128xf32, #tpu.memory_space<hbm>> -> memref<160x128xf32, #tpu.memory_space<hbm>>
      %dma_start3A_62 = arith.constant 0 : i32
      %dma_start3A_63 = tpu.memref_slice %arg4[%add3A_59, %dma_start3A_62] : memref<819200x128xf32, #tpu.memory_space<hbm>> -> memref<160x128xf32, #tpu.memory_space<hbm>>
      tpu.enqueue_dma source(%arg6 : memref<160x128xf32, #tpu.memory_space<vmem>>) target(%dma_start3A_63 : memref<160x128xf32, #tpu.memory_space<hbm>>) target_semaphore(%arg16 : memref<!tpu.dma_semaphore, #tpu.memory_space<semaphore_mem>>)
      %add3A_64 = arith.constant 0 : i32
      %add3A_65 = arith.addi %mul3A_48, %add3A_64 : i32
      %add3A_66 = arith.constant 5 : i32
      %add3A_67 = arith.addi %add3A_65, %add3A_66 : i32
      %sub3A = arith.constant 1 : i32
      %sub3A_68 = arith.subi %add3A_67, %sub3A : i32
      %gt3A = arith.constant 0 : i32
      %gt3A_69 = arith.cmpi sgt, %scan3A_46, %gt3A : i32
      %lt3A = arith.constant 160 : i32
      %lt3A_70 = arith.cmpi slt, %sub3A_68, %lt3A : i32
      %and3A = arith.andi %gt3A_69, %lt3A_70 : i1
      %convert_element_type3A = arith.extui %and3A : i1 to i32
      %cond3A = arith.constant 0 : i32
      %cond3A_71 = arith.cmpi ne, %convert_element_type3A, %cond3A : i32
      scf.if %cond3A_71 {
        %dma_wait3A_220 = arith.constant 0 : i32
        %dma_wait3A_221 = tpu.memref_slice %arg4[%mul3A_2, %dma_wait3A_220] : memref<819200x128xf32, #tpu.memory_space<hbm>> -> memref<160x128xf32, #tpu.memory_space<hbm>>
        %dma_wait3A_222 = arith.constant 0 : i32
        %dma_wait3A_223 = tpu.memref_slice %arg4[%mul3A_2, %dma_wait3A_222] : memref<819200x128xf32, #tpu.memory_space<hbm>> -> memref<160x128xf32, #tpu.memory_space<hbm>>
        tpu.wait_dma2 semaphore(%arg20 : memref<!tpu.dma_semaphore, #tpu.memory_space<semaphore_mem>>) src(%arg10 : memref<160x128xf32, #tpu.memory_space<vmem>>) dst(%dma_wait3A_223 : memref<160x128xf32, #tpu.memory_space<hbm>>)
      } else {
      }
      %lt3A_72 = arith.constant 160 : i32
      %lt3A_73 = arith.cmpi slt, %sub3A_68, %lt3A_72 : i32
      %convert_element_type3A_74 = arith.extui %lt3A_73 : i1 to i32
      %cond3A_75 = arith.constant 0 : i32
      %cond3A_76 = arith.cmpi ne, %convert_element_type3A_74, %cond3A_75 : i32
      scf.if %cond3A_76 {
        %mul3A_220 = arith.constant 160 : i32
        %mul3A_221 = arith.muli %sub3A_68, %mul3A_220 : i32
        %dma_start3A_222 = tpu.memref_slice %arg5[%mul3A_221] : memref<25600xi32, #tpu.memory_space<vmem>> -> memref<160xi32, #tpu.memory_space<vmem>>
        %dma_start3A_223 = arith.constant 0 : i32
        %dma_start3A_224 = arith.constant 0 : i32
        %dma_start3A_225 = tpu.memref_slice %arg3[%dma_start3A_223, %dma_start3A_224] : memref<100000x128xf32, #tpu.memory_space<hbm>> -> memref<100000x128xf32, #tpu.memory_space<hbm>>
        tpu.enqueue_indirect_dma source(%dma_start3A_225 : memref<100000x128xf32, #tpu.memory_space<hbm>>) target(%arg10 : memref<160x128xf32, #tpu.memory_space<vmem>>) offsets(%dma_start3A_222 : memref<160xi32, #tpu.memory_space<vmem>>) semaphore(%arg15 : memref<!tpu.dma_semaphore, #tpu.memory_space<semaphore_mem>>)
      } else {
      }
      %dma_wait3A_77 = arith.constant 0 : i32
      %dma_wait3A_78 = arith.constant 0 : i32
      %dma_wait3A_79 = tpu.memref_slice %arg3[%dma_wait3A_77, %dma_wait3A_78] : memref<100000x128xf32, #tpu.memory_space<hbm>> -> memref<160x128xf32, #tpu.memory_space<hbm>>
      %dma_wait3A_80 = arith.constant 0 : i32
      %dma_wait3A_81 = arith.constant 0 : i32
      %dma_wait3A_82 = tpu.memref_slice %arg3[%dma_wait3A_80, %dma_wait3A_81] : memref<100000x128xf32, #tpu.memory_space<hbm>> -> memref<160x128xf32, #tpu.memory_space<hbm>>
      tpu.wait_dma2 semaphore(%arg12 : memref<!tpu.dma_semaphore, #tpu.memory_space<semaphore_mem>>) src(%dma_wait3A_82 : memref<160x128xf32, #tpu.memory_space<hbm>>) dst(%arg7 : memref<160x128xf32, #tpu.memory_space<vmem>>)
      %add3A_83 = arith.constant 1 : i32
      %add3A_84 = arith.addi %mul3A_48, %add3A_83 : i32
      %mul3A_85 = arith.constant 160 : i32
      %mul3A_86 = arith.muli %add3A_84, %mul3A_85 : i32
      %add3A_87 = arith.addi %mul3A_2, %mul3A_86 : i32
      %dma_start3A_88 = arith.constant 0 : i32
      %dma_start3A_89 = tpu.memref_slice %arg4[%add3A_87, %dma_start3A_88] : memref<819200x128xf32, #tpu.memory_space<hbm>> -> memref<160x128xf32, #tpu.memory_space<hbm>>
      %dma_start3A_90 = arith.constant 0 : i32
      %dma_start3A_91 = tpu.memref_slice %arg4[%add3A_87, %dma_start3A_90] : memref<819200x128xf32, #tpu.memory_space<hbm>> -> memref<160x128xf32, #tpu.memory_space<hbm>>
      tpu.enqueue_dma source(%arg7 : memref<160x128xf32, #tpu.memory_space<vmem>>) target(%dma_start3A_91 : memref<160x128xf32, #tpu.memory_space<hbm>>) target_semaphore(%arg17 : memref<!tpu.dma_semaphore, #tpu.memory_space<semaphore_mem>>)
      %add3A_92 = arith.constant 1 : i32
      %add3A_93 = arith.addi %mul3A_48, %add3A_92 : i32
      %add3A_94 = arith.constant 5 : i32
      %add3A_95 = arith.addi %add3A_93, %add3A_94 : i32
      %sub3A_96 = arith.constant 1 : i32
      %sub3A_97 = arith.subi %add3A_95, %sub3A_96 : i32
      %sub3A_98 = arith.constant 5 : i32
      %sub3A_99 = arith.subi %sub3A_97, %sub3A_98 : i32
      %ge3A = arith.constant 0 : i32
      %ge3A_100 = arith.cmpi sge, %sub3A_99, %ge3A : i32
      %lt3A_101 = arith.constant 160 : i32
      %lt3A_102 = arith.cmpi slt, %sub3A_97, %lt3A_101 : i32
      %and3A_103 = arith.andi %ge3A_100, %lt3A_102 : i1
      %convert_element_type3A_104 = arith.extui %and3A_103 : i1 to i32
      %cond3A_105 = arith.constant 0 : i32
      %cond3A_106 = arith.cmpi ne, %convert_element_type3A_104, %cond3A_105 : i32
      scf.if %cond3A_106 {
        %dma_wait3A_220 = arith.constant 0 : i32
        %dma_wait3A_221 = tpu.memref_slice %arg4[%mul3A_2, %dma_wait3A_220] : memref<819200x128xf32, #tpu.memory_space<hbm>> -> memref<160x128xf32, #tpu.memory_space<hbm>>
        %dma_wait3A_222 = arith.constant 0 : i32
        %dma_wait3A_223 = tpu.memref_slice %arg4[%mul3A_2, %dma_wait3A_222] : memref<819200x128xf32, #tpu.memory_space<hbm>> -> memref<160x128xf32, #tpu.memory_space<hbm>>
        tpu.wait_dma2 semaphore(%arg16 : memref<!tpu.dma_semaphore, #tpu.memory_space<semaphore_mem>>) src(%arg6 : memref<160x128xf32, #tpu.memory_space<vmem>>) dst(%dma_wait3A_223 : memref<160x128xf32, #tpu.memory_space<hbm>>)
      } else {
      }
      %lt3A_107 = arith.constant 160 : i32
      %lt3A_108 = arith.cmpi slt, %sub3A_97, %lt3A_107 : i32
      %convert_element_type3A_109 = arith.extui %lt3A_108 : i1 to i32
      %cond3A_110 = arith.constant 0 : i32
      %cond3A_111 = arith.cmpi ne, %convert_element_type3A_109, %cond3A_110 : i32
      scf.if %cond3A_111 {
        %mul3A_220 = arith.constant 160 : i32
        %mul3A_221 = arith.muli %sub3A_97, %mul3A_220 : i32
        %dma_start3A_222 = tpu.memref_slice %arg5[%mul3A_221] : memref<25600xi32, #tpu.memory_space<vmem>> -> memref<160xi32, #tpu.memory_space<vmem>>
        %dma_start3A_223 = arith.constant 0 : i32
        %dma_start3A_224 = arith.constant 0 : i32
        %dma_start3A_225 = tpu.memref_slice %arg3[%dma_start3A_223, %dma_start3A_224] : memref<100000x128xf32, #tpu.memory_space<hbm>> -> memref<100000x128xf32, #tpu.memory_space<hbm>>
        tpu.enqueue_indirect_dma source(%dma_start3A_225 : memref<100000x128xf32, #tpu.memory_space<hbm>>) target(%arg6 : memref<160x128xf32, #tpu.memory_space<vmem>>) offsets(%dma_start3A_222 : memref<160xi32, #tpu.memory_space<vmem>>) semaphore(%arg11 : memref<!tpu.dma_semaphore, #tpu.memory_space<semaphore_mem>>)
      } else {
      }
      %dma_wait3A_112 = arith.constant 0 : i32
      %dma_wait3A_113 = arith.constant 0 : i32
      %dma_wait3A_114 = tpu.memref_slice %arg3[%dma_wait3A_112, %dma_wait3A_113] : memref<100000x128xf32, #tpu.memory_space<hbm>> -> memref<160x128xf32, #tpu.memory_space<hbm>>
      %dma_wait3A_115 = arith.constant 0 : i32
      %dma_wait3A_116 = arith.constant 0 : i32
      %dma_wait3A_117 = tpu.memref_slice %arg3[%dma_wait3A_115, %dma_wait3A_116] : memref<100000x128xf32, #tpu.memory_space<hbm>> -> memref<160x128xf32, #tpu.memory_space<hbm>>
      tpu.wait_dma2 semaphore(%arg13 : memref<!tpu.dma_semaphore, #tpu.memory_space<semaphore_mem>>) src(%dma_wait3A_117 : memref<160x128xf32, #tpu.memory_space<hbm>>) dst(%arg8 : memref<160x128xf32, #tpu.memory_space<vmem>>)
      %add3A_118 = arith.constant 2 : i32
      %add3A_119 = arith.addi %mul3A_48, %add3A_118 : i32
      %mul3A_120 = arith.constant 160 : i32
      %mul3A_121 = arith.muli %add3A_119, %mul3A_120 : i32
      %add3A_122 = arith.addi %mul3A_2, %mul3A_121 : i32
      %dma_start3A_123 = arith.constant 0 : i32
      %dma_start3A_124 = tpu.memref_slice %arg4[%add3A_122, %dma_start3A_123] : memref<819200x128xf32, #tpu.memory_space<hbm>> -> memref<160x128xf32, #tpu.memory_space<hbm>>
      %dma_start3A_125 = arith.constant 0 : i32
      %dma_start3A_126 = tpu.memref_slice %arg4[%add3A_122, %dma_start3A_125] : memref<819200x128xf32, #tpu.memory_space<hbm>> -> memref<160x128xf32, #tpu.memory_space<hbm>>
      tpu.enqueue_dma source(%arg8 : memref<160x128xf32, #tpu.memory_space<vmem>>) target(%dma_start3A_126 : memref<160x128xf32, #tpu.memory_space<hbm>>) target_semaphore(%arg18 : memref<!tpu.dma_semaphore, #tpu.memory_space<semaphore_mem>>)
      %add3A_127 = arith.constant 2 : i32
      %add3A_128 = arith.addi %mul3A_48, %add3A_127 : i32
      %add3A_129 = arith.constant 5 : i32
      %add3A_130 = arith.addi %add3A_128, %add3A_129 : i32
      %sub3A_131 = arith.constant 1 : i32
      %sub3A_132 = arith.subi %add3A_130, %sub3A_131 : i32
      %sub3A_133 = arith.constant 5 : i32
      %sub3A_134 = arith.subi %sub3A_132, %sub3A_133 : i32
      %ge3A_135 = arith.constant 0 : i32
      %ge3A_136 = arith.cmpi sge, %sub3A_134, %ge3A_135 : i32
      %lt3A_137 = arith.constant 160 : i32
      %lt3A_138 = arith.cmpi slt, %sub3A_132, %lt3A_137 : i32
      %and3A_139 = arith.andi %ge3A_136, %lt3A_138 : i1
      %convert_element_type3A_140 = arith.extui %and3A_139 : i1 to i32
      %cond3A_141 = arith.constant 0 : i32
      %cond3A_142 = arith.cmpi ne, %convert_element_type3A_140, %cond3A_141 : i32
      scf.if %cond3A_142 {
        %dma_wait3A_220 = arith.constant 0 : i32
        %dma_wait3A_221 = tpu.memref_slice %arg4[%mul3A_2, %dma_wait3A_220] : memref<819200x128xf32, #tpu.memory_space<hbm>> -> memref<160x128xf32, #tpu.memory_space<hbm>>
        %dma_wait3A_222 = arith.constant 0 : i32
        %dma_wait3A_223 = tpu.memref_slice %arg4[%mul3A_2, %dma_wait3A_222] : memref<819200x128xf32, #tpu.memory_space<hbm>> -> memref<160x128xf32, #tpu.memory_space<hbm>>
        tpu.wait_dma2 semaphore(%arg17 : memref<!tpu.dma_semaphore, #tpu.memory_space<semaphore_mem>>) src(%arg7 : memref<160x128xf32, #tpu.memory_space<vmem>>) dst(%dma_wait3A_223 : memref<160x128xf32, #tpu.memory_space<hbm>>)
      } else {
      }
      %lt3A_143 = arith.constant 160 : i32
      %lt3A_144 = arith.cmpi slt, %sub3A_132, %lt3A_143 : i32
      %convert_element_type3A_145 = arith.extui %lt3A_144 : i1 to i32
      %cond3A_146 = arith.constant 0 : i32
      %cond3A_147 = arith.cmpi ne, %convert_element_type3A_145, %cond3A_146 : i32
      scf.if %cond3A_147 {
        %mul3A_220 = arith.constant 160 : i32
        %mul3A_221 = arith.muli %sub3A_132, %mul3A_220 : i32
        %dma_start3A_222 = tpu.memref_slice %arg5[%mul3A_221] : memref<25600xi32, #tpu.memory_space<vmem>> -> memref<160xi32, #tpu.memory_space<vmem>>
        %dma_start3A_223 = arith.constant 0 : i32
        %dma_start3A_224 = arith.constant 0 : i32
        %dma_start3A_225 = tpu.memref_slice %arg3[%dma_start3A_223, %dma_start3A_224] : memref<100000x128xf32, #tpu.memory_space<hbm>> -> memref<100000x128xf32, #tpu.memory_space<hbm>>
        tpu.enqueue_indirect_dma source(%dma_start3A_225 : memref<100000x128xf32, #tpu.memory_space<hbm>>) target(%arg7 : memref<160x128xf32, #tpu.memory_space<vmem>>) offsets(%dma_start3A_222 : memref<160xi32, #tpu.memory_space<vmem>>) semaphore(%arg12 : memref<!tpu.dma_semaphore, #tpu.memory_space<semaphore_mem>>)
      } else {
      }
      %dma_wait3A_148 = arith.constant 0 : i32
      %dma_wait3A_149 = arith.constant 0 : i32
      %dma_wait3A_150 = tpu.memref_slice %arg3[%dma_wait3A_148, %dma_wait3A_149] : memref<100000x128xf32, #tpu.memory_space<hbm>> -> memref<160x128xf32, #tpu.memory_space<hbm>>
      %dma_wait3A_151 = arith.constant 0 : i32
      %dma_wait3A_152 = arith.constant 0 : i32
      %dma_wait3A_153 = tpu.memref_slice %arg3[%dma_wait3A_151, %dma_wait3A_152] : memref<100000x128xf32, #tpu.memory_space<hbm>> -> memref<160x128xf32, #tpu.memory_space<hbm>>
      tpu.wait_dma2 semaphore(%arg14 : memref<!tpu.dma_semaphore, #tpu.memory_space<semaphore_mem>>) src(%dma_wait3A_153 : memref<160x128xf32, #tpu.memory_space<hbm>>) dst(%arg9 : memref<160x128xf32, #tpu.memory_space<vmem>>)
      %add3A_154 = arith.constant 3 : i32
      %add3A_155 = arith.addi %mul3A_48, %add3A_154 : i32
      %mul3A_156 = arith.constant 160 : i32
      %mul3A_157 = arith.muli %add3A_155, %mul3A_156 : i32
      %add3A_158 = arith.addi %mul3A_2, %mul3A_157 : i32
      %dma_start3A_159 = arith.constant 0 : i32
      %dma_start3A_160 = tpu.memref_slice %arg4[%add3A_158, %dma_start3A_159] : memref<819200x128xf32, #tpu.memory_space<hbm>> -> memref<160x128xf32, #tpu.memory_space<hbm>>
      %dma_start3A_161 = arith.constant 0 : i32
      %dma_start3A_162 = tpu.memref_slice %arg4[%add3A_158, %dma_start3A_161] : memref<819200x128xf32, #tpu.memory_space<hbm>> -> memref<160x128xf32, #tpu.memory_space<hbm>>
      tpu.enqueue_dma source(%arg9 : memref<160x128xf32, #tpu.memory_space<vmem>>) target(%dma_start3A_162 : memref<160x128xf32, #tpu.memory_space<hbm>>) target_semaphore(%arg19 : memref<!tpu.dma_semaphore, #tpu.memory_space<semaphore_mem>>)
      %add3A_163 = arith.constant 3 : i32
      %add3A_164 = arith.addi %mul3A_48, %add3A_163 : i32
      %add3A_165 = arith.constant 5 : i32
      %add3A_166 = arith.addi %add3A_164, %add3A_165 : i32
      %sub3A_167 = arith.constant 1 : i32
      %sub3A_168 = arith.subi %add3A_166, %sub3A_167 : i32
      %sub3A_169 = arith.constant 5 : i32
      %sub3A_170 = arith.subi %sub3A_168, %sub3A_169 : i32
      %ge3A_171 = arith.constant 0 : i32
      %ge3A_172 = arith.cmpi sge, %sub3A_170, %ge3A_171 : i32
      %lt3A_173 = arith.constant 160 : i32
      %lt3A_174 = arith.cmpi slt, %sub3A_168, %lt3A_173 : i32
      %and3A_175 = arith.andi %ge3A_172, %lt3A_174 : i1
      %convert_element_type3A_176 = arith.extui %and3A_175 : i1 to i32
      %cond3A_177 = arith.constant 0 : i32
      %cond3A_178 = arith.cmpi ne, %convert_element_type3A_176, %cond3A_177 : i32
      scf.if %cond3A_178 {
        %dma_wait3A_220 = arith.constant 0 : i32
        %dma_wait3A_221 = tpu.memref_slice %arg4[%mul3A_2, %dma_wait3A_220] : memref<819200x128xf32, #tpu.memory_space<hbm>> -> memref<160x128xf32, #tpu.memory_space<hbm>>
        %dma_wait3A_222 = arith.constant 0 : i32
        %dma_wait3A_223 = tpu.memref_slice %arg4[%mul3A_2, %dma_wait3A_222] : memref<819200x128xf32, #tpu.memory_space<hbm>> -> memref<160x128xf32, #tpu.memory_space<hbm>>
        tpu.wait_dma2 semaphore(%arg18 : memref<!tpu.dma_semaphore, #tpu.memory_space<semaphore_mem>>) src(%arg8 : memref<160x128xf32, #tpu.memory_space<vmem>>) dst(%dma_wait3A_223 : memref<160x128xf32, #tpu.memory_space<hbm>>)
      } else {
      }
      %lt3A_179 = arith.constant 160 : i32
      %lt3A_180 = arith.cmpi slt, %sub3A_168, %lt3A_179 : i32
      %convert_element_type3A_181 = arith.extui %lt3A_180 : i1 to i32
      %cond3A_182 = arith.constant 0 : i32
      %cond3A_183 = arith.cmpi ne, %convert_element_type3A_181, %cond3A_182 : i32
      scf.if %cond3A_183 {
        %mul3A_220 = arith.constant 160 : i32
        %mul3A_221 = arith.muli %sub3A_168, %mul3A_220 : i32
        %dma_start3A_222 = tpu.memref_slice %arg5[%mul3A_221] : memref<25600xi32, #tpu.memory_space<vmem>> -> memref<160xi32, #tpu.memory_space<vmem>>
        %dma_start3A_223 = arith.constant 0 : i32
        %dma_start3A_224 = arith.constant 0 : i32
        %dma_start3A_225 = tpu.memref_slice %arg3[%dma_start3A_223, %dma_start3A_224] : memref<100000x128xf32, #tpu.memory_space<hbm>> -> memref<100000x128xf32, #tpu.memory_space<hbm>>
        tpu.enqueue_indirect_dma source(%dma_start3A_225 : memref<100000x128xf32, #tpu.memory_space<hbm>>) target(%arg8 : memref<160x128xf32, #tpu.memory_space<vmem>>) offsets(%dma_start3A_222 : memref<160xi32, #tpu.memory_space<vmem>>) semaphore(%arg13 : memref<!tpu.dma_semaphore, #tpu.memory_space<semaphore_mem>>)
      } else {
      }
      %dma_wait3A_184 = arith.constant 0 : i32
      %dma_wait3A_185 = arith.constant 0 : i32
      %dma_wait3A_186 = tpu.memref_slice %arg3[%dma_wait3A_184, %dma_wait3A_185] : memref<100000x128xf32, #tpu.memory_space<hbm>> -> memref<160x128xf32, #tpu.memory_space<hbm>>
      %dma_wait3A_187 = arith.constant 0 : i32
      %dma_wait3A_188 = arith.constant 0 : i32
      %dma_wait3A_189 = tpu.memref_slice %arg3[%dma_wait3A_187, %dma_wait3A_188] : memref<100000x128xf32, #tpu.memory_space<hbm>> -> memref<160x128xf32, #tpu.memory_space<hbm>>
      tpu.wait_dma2 semaphore(%arg15 : memref<!tpu.dma_semaphore, #tpu.memory_space<semaphore_mem>>) src(%dma_wait3A_189 : memref<160x128xf32, #tpu.memory_space<hbm>>) dst(%arg10 : memref<160x128xf32, #tpu.memory_space<vmem>>)
      %add3A_190 = arith.constant 4 : i32
      %add3A_191 = arith.addi %mul3A_48, %add3A_190 : i32
      %mul3A_192 = arith.constant 160 : i32
      %mul3A_193 = arith.muli %add3A_191, %mul3A_192 : i32
      %add3A_194 = arith.addi %mul3A_2, %mul3A_193 : i32
      %dma_start3A_195 = arith.constant 0 : i32
      %dma_start3A_196 = tpu.memref_slice %arg4[%add3A_194, %dma_start3A_195] : memref<819200x128xf32, #tpu.memory_space<hbm>> -> memref<160x128xf32, #tpu.memory_space<hbm>>
      %dma_start3A_197 = arith.constant 0 : i32
      %dma_start3A_198 = tpu.memref_slice %arg4[%add3A_194, %dma_start3A_197] : memref<819200x128xf32, #tpu.memory_space<hbm>> -> memref<160x128xf32, #tpu.memory_space<hbm>>
      tpu.enqueue_dma source(%arg10 : memref<160x128xf32, #tpu.memory_space<vmem>>) target(%dma_start3A_198 : memref<160x128xf32, #tpu.memory_space<hbm>>) target_semaphore(%arg20 : memref<!tpu.dma_semaphore, #tpu.memory_space<semaphore_mem>>)
      %add3A_199 = arith.constant 4 : i32
      %add3A_200 = arith.addi %mul3A_48, %add3A_199 : i32
      %add3A_201 = arith.constant 5 : i32
      %add3A_202 = arith.addi %add3A_200, %add3A_201 : i32
      %sub3A_203 = arith.constant 1 : i32
      %sub3A_204 = arith.subi %add3A_202, %sub3A_203 : i32
      %sub3A_205 = arith.constant 5 : i32
      %sub3A_206 = arith.subi %sub3A_204, %sub3A_205 : i32
      %ge3A_207 = arith.constant 0 : i32
      %ge3A_208 = arith.cmpi sge, %sub3A_206, %ge3A_207 : i32
      %lt3A_209 = arith.constant 160 : i32
      %lt3A_210 = arith.cmpi slt, %sub3A_204, %lt3A_209 : i32
      %and3A_211 = arith.andi %ge3A_208, %lt3A_210 : i1
      %convert_element_type3A_212 = arith.extui %and3A_211 : i1 to i32
      %cond3A_213 = arith.constant 0 : i32
      %cond3A_214 = arith.cmpi ne, %convert_element_type3A_212, %cond3A_213 : i32
      scf.if %cond3A_214 {
        %dma_wait3A_220 = arith.constant 0 : i32
        %dma_wait3A_221 = tpu.memref_slice %arg4[%mul3A_2, %dma_wait3A_220] : memref<819200x128xf32, #tpu.memory_space<hbm>> -> memref<160x128xf32, #tpu.memory_space<hbm>>
        %dma_wait3A_222 = arith.constant 0 : i32
        %dma_wait3A_223 = tpu.memref_slice %arg4[%mul3A_2, %dma_wait3A_222] : memref<819200x128xf32, #tpu.memory_space<hbm>> -> memref<160x128xf32, #tpu.memory_space<hbm>>
        tpu.wait_dma2 semaphore(%arg19 : memref<!tpu.dma_semaphore, #tpu.memory_space<semaphore_mem>>) src(%arg9 : memref<160x128xf32, #tpu.memory_space<vmem>>) dst(%dma_wait3A_223 : memref<160x128xf32, #tpu.memory_space<hbm>>)
      } else {
      }
      %lt3A_215 = arith.constant 160 : i32
      %lt3A_216 = arith.cmpi slt, %sub3A_204, %lt3A_215 : i32
      %convert_element_type3A_217 = arith.extui %lt3A_216 : i1 to i32
      %cond3A_218 = arith.constant 0 : i32
      %cond3A_219 = arith.cmpi ne, %convert_element_type3A_217, %cond3A_218 : i32
      scf.if %cond3A_219 {
        %mul3A_220 = arith.constant 160 : i32
        %mul3A_221 = arith.muli %sub3A_204, %mul3A_220 : i32
        %dma_start3A_222 = tpu.memref_slice %arg5[%mul3A_221] : memref<25600xi32, #tpu.memory_space<vmem>> -> memref<160xi32, #tpu.memory_space<vmem>>
        %dma_start3A_223 = arith.constant 0 : i32
        %dma_start3A_224 = arith.constant 0 : i32
        %dma_start3A_225 = tpu.memref_slice %arg3[%dma_start3A_223, %dma_start3A_224] : memref<100000x128xf32, #tpu.memory_space<hbm>> -> memref<100000x128xf32, #tpu.memory_space<hbm>>
        tpu.enqueue_indirect_dma source(%dma_start3A_225 : memref<100000x128xf32, #tpu.memory_space<hbm>>) target(%arg9 : memref<160x128xf32, #tpu.memory_space<vmem>>) offsets(%dma_start3A_222 : memref<160xi32, #tpu.memory_space<vmem>>) semaphore(%arg14 : memref<!tpu.dma_semaphore, #tpu.memory_space<semaphore_mem>>)
      } else {
      }
    }
    %scan3A_26 = arith.constant 32 : i32
    %dma_wait3A = arith.constant 0 : i32
    %dma_wait3A_27 = tpu.memref_slice %arg4[%mul3A_2, %dma_wait3A] : memref<819200x128xf32, #tpu.memory_space<hbm>> -> memref<160x128xf32, #tpu.memory_space<hbm>>
    %dma_wait3A_28 = arith.constant 0 : i32
    %dma_wait3A_29 = tpu.memref_slice %arg4[%mul3A_2, %dma_wait3A_28] : memref<819200x128xf32, #tpu.memory_space<hbm>> -> memref<160x128xf32, #tpu.memory_space<hbm>>
    tpu.wait_dma2 semaphore(%arg16 : memref<!tpu.dma_semaphore, #tpu.memory_space<semaphore_mem>>) src(%arg6 : memref<160x128xf32, #tpu.memory_space<vmem>>) dst(%dma_wait3A_29 : memref<160x128xf32, #tpu.memory_space<hbm>>)
    %dma_wait3A_30 = arith.constant 0 : i32
    %dma_wait3A_31 = tpu.memref_slice %arg4[%mul3A_2, %dma_wait3A_30] : memref<819200x128xf32, #tpu.memory_space<hbm>> -> memref<160x128xf32, #tpu.memory_space<hbm>>
    %dma_wait3A_32 = arith.constant 0 : i32
    %dma_wait3A_33 = tpu.memref_slice %arg4[%mul3A_2, %dma_wait3A_32] : memref<819200x128xf32, #tpu.memory_space<hbm>> -> memref<160x128xf32, #tpu.memory_space<hbm>>
    tpu.wait_dma2 semaphore(%arg17 : memref<!tpu.dma_semaphore, #tpu.memory_space<semaphore_mem>>) src(%arg7 : memref<160x128xf32, #tpu.memory_space<vmem>>) dst(%dma_wait3A_33 : memref<160x128xf32, #tpu.memory_space<hbm>>)
    %dma_wait3A_34 = arith.constant 0 : i32
    %dma_wait3A_35 = tpu.memref_slice %arg4[%mul3A_2, %dma_wait3A_34] : memref<819200x128xf32, #tpu.memory_space<hbm>> -> memref<160x128xf32, #tpu.memory_space<hbm>>
    %dma_wait3A_36 = arith.constant 0 : i32
    %dma_wait3A_37 = tpu.memref_slice %arg4[%mul3A_2, %dma_wait3A_36] : memref<819200x128xf32, #tpu.memory_space<hbm>> -> memref<160x128xf32, #tpu.memory_space<hbm>>
    tpu.wait_dma2 semaphore(%arg18 : memref<!tpu.dma_semaphore, #tpu.memory_space<semaphore_mem>>) src(%arg8 : memref<160x128xf32, #tpu.memory_space<vmem>>) dst(%dma_wait3A_37 : memref<160x128xf32, #tpu.memory_space<hbm>>)
    %dma_wait3A_38 = arith.constant 0 : i32
    %dma_wait3A_39 = tpu.memref_slice %arg4[%mul3A_2, %dma_wait3A_38] : memref<819200x128xf32, #tpu.memory_space<hbm>> -> memref<160x128xf32, #tpu.memory_space<hbm>>
    %dma_wait3A_40 = arith.constant 0 : i32
    %dma_wait3A_41 = tpu.memref_slice %arg4[%mul3A_2, %dma_wait3A_40] : memref<819200x128xf32, #tpu.memory_space<hbm>> -> memref<160x128xf32, #tpu.memory_space<hbm>>
    tpu.wait_dma2 semaphore(%arg19 : memref<!tpu.dma_semaphore, #tpu.memory_space<semaphore_mem>>) src(%arg9 : memref<160x128xf32, #tpu.memory_space<vmem>>) dst(%dma_wait3A_41 : memref<160x128xf32, #tpu.memory_space<hbm>>)
    %dma_wait3A_42 = arith.constant 0 : i32
    %dma_wait3A_43 = tpu.memref_slice %arg4[%mul3A_2, %dma_wait3A_42] : memref<819200x128xf32, #tpu.memory_space<hbm>> -> memref<160x128xf32, #tpu.memory_space<hbm>>
    %dma_wait3A_44 = arith.constant 0 : i32
    %dma_wait3A_45 = tpu.memref_slice %arg4[%mul3A_2, %dma_wait3A_44] : memref<819200x128xf32, #tpu.memory_space<hbm>> -> memref<160x128xf32, #tpu.memory_space<hbm>>
    tpu.wait_dma2 semaphore(%arg20 : memref<!tpu.dma_semaphore, #tpu.memory_space<semaphore_mem>>) src(%arg10 : memref<160x128xf32, #tpu.memory_space<vmem>>) dst(%dma_wait3A_45 : memref<160x128xf32, #tpu.memory_space<hbm>>)
    return
  }
}

</mosaic_0001>

<sc_bundles>
// kernel: kernel.3.cloned.1.call-start
scs
__scs_entry_jumppad:
0x0: {  	(pc) =	sbr.rel $0x88, $3  }
0x1: {  	(tag) =	ssettag $0x0;
	lr =	simm.s32 $0x1  }
0x2: {  	[smem:$0x3F9F] =	sst lr;
	_ =	strace $0xD0000000  }
0x3: {  	_ = 	snop  }
0x4: {  	_ = 	snop  }
0x5: {  	_ = 	snop  }
0x6: {  	_ = 	snop  }
0x7: {  	_ = 	snop  }
__scs_overlays_trampoline_lowered:
0x8: {  	[smem:$0x3FAE] =	sst s0  }
0x9: {  	[smem:$0x3FAF] =	sst s1  }
0xa: {  	[smem:$0x3FB0] =	sst s2  }
0xb: {  	[smem:$0x3FB1] =	sst s3  }
0xc: {  	[smem:$0x3FB2] =	sst s4  }
0xd: {  	[smem:$0x3FB3] =	sst s5  }
0xe: {  	[smem:$0x3FB4] =	sst s6  }
0xf: {  	[smem:$0x3FB5] =	sst s7  }
0x10: {  	[smem:$0x3FB6] =	sst s8  }
0x11: {  	[smem:$0x3FB7] =	sst s9;
	s0 =	simm.s32 @!p0 $0x0  }
0x12: {  	s1 =	sld [smem:$0x3F9D];
	s0 =	simm.s32 @p0 $0x1  }
0x13: {  	[smem:$0x3FB8] =	sst s0;
	s0 =	simm.s32 @!p1 $0x0  }
0x14: {  	s2 =	sld [smem:$0x3F9C];
	s0 =	simm.s32 @p1 $0x1  }
0x15: {  	[smem:$0x3FB9] =	sst s0;
	s0 =	simm.s32 @!p2 $0x0  }
0x16: {  	s3 =	sld [smem:$0x3FDB];
	s0 =	simm.s32 @p2 $0x1  }
0x17: {  	s4 =	simm.s32 $0x1BF5;
	[smem:$0x3FBB] =	sst s0  }
0x18: {  	s0 =	sld [smem:$0x3F9E];
	_ =	swait.ge [sflag:s4], $0x0  }
0x19: {  	s7 =	sld [smem:$0x3F9F]  }
0x1a: {  	s8 =	sadd.s32 $0xFFFFE003, lr  }
0x1b: {  	s9 =	sadd.s32 $0xFFFFFEF7, lr;
	s5 =	simm.s32 $0xFFFFFFFF;
	p2 =	slt.u32 s8, $0xFFFFF086  }
0x1c: {  	p1 =	slt.u32 s9, $0xF7A;
	s5 =	simm.s32 @!p2 $0x0  }
0x1d: {  	s5 =	simm.s32 @p1 $0x1;
	p0 =	seq.s32 s7, s2  }
0x1e: {  	s7 =	smul.u32 @!p0 $0xF7A, s2;
	p2 =	seq.s32 @!p0 s5, $0x0  }
0x1f: {  	s9 =	smul.u32 $0xF7A, s1;
	s8 =	simm.s32 @!p0 $0x1BF5;
	p2 =	por !p2, p0  }
0x20: {  	[sflag:s8] =	ssyncset.s32 @!p0 $0xFFFFF086;
	s6 =	sadd.s32 @!p0 s3, s7;
	s7 =	simm.s32 @!p0 $0x108  }
0x21: {  	s3 =	sadd.s32 s3, s9;
	s6 =	sadd.s32 @!p0 $0x88, s6;
	s7 =	simm.s32 @p2 $0x1082  }
0x22: {  	[simem:s7], [sflag:s8] =	dma.local @!p0 [hbm:s6], $0xF7A  }
0x23: {  	s9 =	sor.u32 $0xD0000000, s2;
	s6 =	simm.s32 $0x108;
	_ =	swait.ge @!p0 [sflag:s8], $0x0  }
0x24: {  	s3 =	sadd.s32 $0x88, s3;
	s6 =	simm.s32 @!p1 $0x1082;
	[sflag:s4] =	ssyncset.s32 $0xFFFFF086  }
0x25: {  	[simem:s6], [sflag:s4] =	dma.local [hbm:s3], $0xF7A  }
0x26: {  	[smem:$0x3F9F] =	sst s1;
	(tag) =	ssettag s2;
	_ =	strace s9  }
0x27: {  	s1 =	sld [smem:$0x3FAF]  }
0x28: {  	s2 =	sld [smem:$0x3FB0]  }
0x29: {  	s4 =	sld [smem:$0x3FB2]  }
0x2a: {  	p0 =	seq.s32 s5, $0x0;
	s5 =	sld [smem:$0x3FB3]  }
0x2b: {  	s6 =	sld [smem:$0x3FB4]  }
0x2c: {  	s7 =	sld [smem:$0x3FB5]  }
0x2d: {  	s3 =	simm.s32 $0x108;
	s8 =	sld [smem:$0x3FB6]  }
0x2e: {  	s3 =	simm.s32 @!p0 $0x1082;
	s9 =	sld [smem:$0x3FB7]  }
0x2f: {  	lr =	sadd.s32 s0, s3;
	s0 =	sld [smem:$0x3FAE]  }
0x30: {  	s3 =	sld [smem:$0x3FB1]  }
0x31: {  	[smem:$0x3FBA] =	sst s10  }
0x32: {  	s10 =	sld [smem:$0x3FB8];
	_ =	sdelay $0x3  }
0x33: {  	p0 =	seq.s32 s10, $0x1;
	s10 =	sld [smem:$0x3FBA];
	_ =	sdelay $0x3  }
0x34: {  	[smem:$0x3FBA] =	sst s10  }
0x35: {  	s10 =	sld [smem:$0x3FB9];
	_ =	sdelay $0x3  }
0x36: {  	p1 =	seq.s32 s10, $0x1;
	s10 =	sld [smem:$0x3FBA];
	_ =	sdelay $0x3  }
0x37: {  	[smem:$0x3FBA] =	sst s10  }
0x38: {  	s10 =	sld [smem:$0x3FBB]  }
0x39: {  	_ = 	snop;
	(pc) =	sbr.ind lr, $3  }
0x3a: {  	_ = 	snop  }
0x3b: {  	_ = 	snop  }
0x3c: {  	p2 =	seq.s32 s10, $0x1;
	s10 =	sld [smem:$0x3FBA]  }
0x3d: {  	_ =	shalt  }
0x3e: {  	_ =	shalt  }
0x3f: {  	_ =	shalt  }
0x40: {  	_ =	shalt  }
0x41: {  	_ =	shalt  }
0x42: {  	_ =	shalt  }
0x43: {  	_ =	shalt  }
0x44: {  	_ =	shalt  }
0x45: {  	_ =	shalt  }
0x46: {  	_ =	shalt  }
0x47: {  	_ =	shalt  }
0x48: {  	_ =	shalt  }
0x49: {  	_ =	shalt  }
0x4a: {  	_ =	shalt  }
0x4b: {  	_ =	shalt  }
0x4c: {  	_ =	shalt  }
0x4d: {  	_ =	shalt  }
0x4e: {  	_ =	shalt  }
0x4f: {  	_ =	shalt  }
0x50: {  	_ =	shalt  }
0x51: {  	_ =	shalt  }
0x52: {  	_ =	shalt  }
0x53: {  	_ =	shalt  }
0x54: {  	_ =	shalt  }
0x55: {  	_ =	shalt  }
0x56: {  	_ =	shalt  }
0x57: {  	_ =	shalt  }
0x58: {  	_ =	shalt  }
0x59: {  	_ =	shalt  }
0x5a: {  	_ =	shalt  }
0x5b: {  	_ =	shalt  }
0x5c: {  	_ =	shalt  }
0x5d: {  	_ =	shalt  }
0x5e: {  	_ =	shalt  }
0x5f: {  	_ =	shalt  }
0x60: {  	_ =	shalt  }
0x61: {  	_ =	shalt  }
0x62: {  	_ =	shalt  }
0x63: {  	_ =	shalt  }
0x64: {  	_ =	shalt  }
0x65: {  	_ =	shalt  }
0x66: {  	_ =	shalt  }
0x67: {  	_ =	shalt  }
0x68: {  	_ =	shalt  }
0x69: {  	_ =	shalt  }
0x6a: {  	_ =	shalt  }
0x6b: {  	_ =	shalt  }
0x6c: {  	_ =	shalt  }
0x6d: {  	_ =	shalt  }
0x6e: {  	_ =	shalt  }
0x6f: {  	_ =	shalt  }
0x70: {  	_ =	shalt  }
0x71: {  	_ =	shalt  }
0x72: {  	_ =	shalt  }
0x73: {  	_ =	shalt  }
0x74: {  	_ =	shalt  }
0x75: {  	_ =	shalt  }
0x76: {  	_ =	shalt  }
0x77: {  	_ =	shalt  }
0x78: {  	_ =	shalt  }
0x79: {  	_ =	shalt  }
0x7a: {  	_ =	shalt  }
0x7b: {  	_ =	shalt  }
0x7c: {  	_ =	shalt  }
0x7d: {  	_ =	shalt  }
0x7e: {  	_ =	shalt  }
0x7f: {  	_ =	shalt  }
0x80: {  	_ =	shalt  }
0x81: {  	_ =	shalt  }
0x82: {  	_ =	shalt  }
0x83: {  	_ =	shalt  }
0x84: {  	_ =	shalt  }
0x85: {  	_ =	shalt  }
0x86: {  	_ =	shalt  }
0x87: {  	_ =	shalt  }
.Lfunc_end0:
.L_simem_size_0:
called_computation_lowered:
.L_overlay_start_0:
0x88: {  	s2 =	sld [smem:$0x3FD9]  }
0x89: {  	s3 =	sld [smem:$0x3FFE];
	_ =	sdelay $0x1  }
0x8a: {  	s1 =	srdreg.scid  }
0x8b: {  	s0 =	sand.u32 $0x1, s1  }
0x8c: {  	s17 =	sshll.u32 s0, $0xA;
	s2 =	sadd.s32 s3, s2  }
0x8d: {  	s2 =	sadd.s32 s2, s17  }
0x8e: {  	[smem:$0x3FC6] =	sst s2  }
0x8f: {  	_ = 	snop  }
0x90: {  	s2 =	sld [smem:$0x3FC8]  }
0x91: {  	s18 =	sld [smem:$0x3FD0];
	(tm) =	ssettm $0x1  }
0x92: {  	s4 =	sld [smem:$0x3FFB];
	_ =	sdelay $0x3  }
0x93: {  	_ =	strace s4  }
0x94: {  	s4 =	sld [smem:$0x3FFC];
	_ =	sdelay $0x3  }
0x95: {  	_ =	strace s4  }
0x96: {  	s4 =	sld [smem:$0x3FFD];
	_ =	sdelay $0x3  }
0x97: {  	_ =	strace s4  }
0x98: {  	_ =	strace $0x8FFFFFFF  }
0x99: {  	s19 =	sld [smem:$0x3FDB];
	_ =	sdelay $0x1  }
0x9a: {  	s5 =	simm.s32 $_scs_section_size  }
0x9b: {  	s6 =	simm.s32 $_size__tile_overlayer_lowered;
	s7 =	simm.s32 $_tile_overlayer_lowered  }
0x9c: {  	s22 =	simm.s32 $0x1BFF;
	s21 =	sshll.u32 s7, $0x1;
	s4 =	sadd.s32 s5, s19  }
0x9d: {  	s8 =	simm.s32 $0x0;
	s20 =	sshll.u32 s6, $0x1;
	s6 =	sadd.s32 s21, s4  }
0x9e: {  	[timem:s8], [sflag:s22] =	dma.local [hbm:s6], s20  }
0x9f: {  	_ =	swait.ge [sflag:s22], s20  }
0xa0: {  	s5 =	ssub.s32 $0x0, s20;
	[sflag:s22] =	ssyncset.done $0x0  }
0xa1: {  	[sflag:s22] =	ssyncadd.s32 s5;
	_ =	sdelay $0x1  }
0xa2: {  	s23 =	simm.s32 $0x1B8B  }
0xa3: {  	_ =	swait.ge [sflag:s23], $0x1  }
0xa4: {  	[sflag:s23] =	ssyncset.done $0x0  }
0xa5: {  	s25 =	simm.s32 $0x1B8E;
	s24 =	sld [smem:$0x3FFE];
	[sflag:s23] =	ssyncadd.s32 $0xFFFFFFFF  }
0xa6: {  	s26 =	simm.s32 $execute0_lowered;
	[smem:$0x3FD2] =	sst s25  }
0xa7: {  	s6 =	sshll.u32 s26, $0x1;
	_ =	strace $0x80000046;
	[dreg:$0x1] =	wrdreg $0xFFFFFFFF  }
0xa8: {  	s28 =	simm.s32 $_size_execute0_lowered;
	s4 =	sadd.s32 s4, s6;
	[dreg:$0x0] =	wrdreg $0x0  }
0xa9: {  	s6 =	sshll.u32 s28, $0x1;
	[dreg:$0x2] =	wrdreg s4  }
0xaa: {  	[dreg:$0x3] =	wrdreg s6  }
0xab: {  	[dreg:$0x4] =	wrdreg $0xC0  }
0xac: {  	_ =	task [dreg:s8], $0x5FFFF  }
0xad: {  	[dreg:$0x1] =	wrdreg $0xFFFFFFFF  }
0xae: {  	[dreg:$0x0] =	wrdreg $0x60  }
0xaf: {  	[dreg:$0x2] =	wrdreg s24  }
0xb0: {  	[dreg:$0x3] =	wrdreg s2  }
0xb1: {  	[dreg:$0x4] =	wrdreg s18  }
0xb2: {  	[dreg:$0x5] =	wrdreg $0x9  }
0xb3: {  	_ =	task.clear_ibuf [dreg:s8], $0x6FFFF;
	_ =	strace $0x90000046  }
0xb4: {  	s29 =	simm.s32 $0x9;
	_ =	strace $0x80000048  }
0xb5: {  	_ =	swait.ge [sflag:s29], $0x1  }
0xb6: {  	[sflag:s29] =	ssyncadd.s32 $0xFFFFFFFF  }
0xb7: {  	_ =	strace $0x90000048  }
0xb8: {  	_ =	sfence  }
0xb9: {  	s30 =	sld [smem:$0x0];
	_ =	sdelay $0x2  }
0xba: {  	s31 =	sshll.u32 s1, $0xD;
	s1 =	sshrl.u32 s1, $0x2  }
0xbb: {  	s3 =	sand.u32 $0x4000, s31;
	s1 =	sadd.s32 s1, s30  }
0xbc: {  	s0 =	sor.u32 s3, s0;
	s1 =	sshll.u32 s1, $0x11  }
0xbd: {  	s0 =	sor.u32 s1, s0  }
0xbe: {  	s0 =	sadd.s32 $0x8F2B, s0  }
0xbf: {  	[sflag:s0] =	ssyncadd.remote.s32 $0x1  }
0xc0: {  	_ =	sfence.sel $0xFFFF  }
0xc1: {  	[dreg:$0x0] =	wrdreg $0xFFFFFFFF;
	(pc) =	sbr.abs _section_cstart, $3  }
0xc2: {  	[dreg:$0x1] =	wrdreg $0xFFFFFFFF  }
0xc3: {  	_ =	task.clear_ibuf [dreg:s8], $0x2FFFF;
	_ =	strace $0x9FFFFFFF  }
0xc4: {  	(tm) =	ssettm $0x7FFFFFFF  }
0xc5: {  	_ =	shalt  }
tec
execute0_lowered:
.L_overlay_start_1:
0x0: {  	(tag) =	ssettag $0x1  }
0x1: {  	s4 =	rddreg [dreg:$0x0]  }
0x2: {  	s2 =	rddreg [dreg:$0x1];
	s1 =	srdreg.scid  }
0x3: {  	s0 =	stileid.u32;
	s6 =	rddreg [dreg:$0x2];
	s3 =	simm.s32 $0x0  }
0x4: {  	s14 =	simm.s32 $0x1E0;
	s15 =	simm.s32 $0x15400;
	s16 =	simm.s32 $0x1  }
0x5: {  	s17 =	simm.s32 $0x1A400;
	s18 =	simm.s32 $0x2;
	s19 =	simm.s32 $0x4  }
0x6: {  	s20 =	simm.s32 $0x5;
	s21 =	simm.s32 $0x6;
	s22 =	simm.s32 $0x7  }
0x7: {  	s23 =	simm.s32 $0x8;
	s24 =	simm.s32 $0x9;
	s25 =	simm.s32 $0xA  }
0x8: {  	s5 =	sand.u32 $0x1, s1;
	s7 =	sshll.u32 s0, $0x1;
	s10 =	smul.u32 $0xC8000, s0  }
0x9: {  	s26 =	simm.s32 $0x0;
	s7 =	sor.u32 s5, s7;
	s11 =	smul.u32 $0x64000, s5  }
0xa: {  	[smem:$0x7FF] =	sst s3;
	s9 =	ssub.s32 $0x2, s5;
	s8 =	smul.u32 $0x6400, s7  }
0xb: {  	_ =	strace $0x80000047;
	s7 =	smul.u32 $0x64000, s7;
	s28 =	sshrl.u32 s9, $0x1  }
.Ltmp0:
0xc: {  	s30 =	sadd.s32 s10, s6;
	s10 =	simm.s32 $0x6400;
	(pc) =	sbr.rel .LBB2_1-.Ltmp0, $4  }
0xd: {  	s29 =	ssub.s32 s9, s28;
	s31 =	sadd.s32 s11, s30;
	s9 =	simm.s32 $0xA0  }
0xe: {  	s11 =	simm.s32 $0xB400;
	s8 =	sshrl.u32 s8, $0x3;
	s5 =	smax.u32 s29, $0x1  }
0xf: {  	s6 =	sadd.s32 s6, s7;
	s7 =	sadd.s32 $0x1400, s31;
	s4 =	sadd.s32 s8, s4  }
0x10: {  	s6 =	sadd.s32 $0x62200, s6;
	s8 =	simm.s32 $0xB;
	s4 =	sadd.s32 $0x400, s4  }
.LBB2_4:
0x11: {  	_ =	swait.ge [sflag:s21], $0x5000  }
0x12: {  	[sflag:s21] =	ssyncset.done $0x0  }
0x13: {  	[sflag:s21] =	ssyncadd.s32 $0xFFFFB000  }
0x14: {  	_ =	swait.ge [sflag:s22], $0x5000  }
0x15: {  	[sflag:s22] =	ssyncset.done $0x0  }
0x16: {  	[sflag:s22] =	ssyncadd.s32 $0xFFFFB000  }
0x17: {  	_ =	swait.ge [sflag:s23], $0x5000  }
0x18: {  	[sflag:s23] =	ssyncset.done $0x0  }
0x19: {  	s26 =	sadd.s32 $0x1, s26;
	[sflag:s23] =	ssyncadd.s32 $0xFFFFB000  }
0x1a: {  	p0 =	sne.s32 s26, s5;
	_ =	swait.ge [sflag:s24], $0x5000  }
.Ltmp1:
0x1b: {  	[sflag:s24] =	ssyncset.done $0x0;
	(pc) =	sbr.rel @!p0 .LBB2_5-.Ltmp1, $4  }
0x1c: {  	[sflag:s24] =	ssyncadd.s32 $0xFFFFB000  }
0x1d: {  	_ =	swait.ge [sflag:s25], $0x5000  }
0x1e: {  	[sflag:s25] =	ssyncset.done $0x0  }
0x1f: {  	[sflag:s25] =	ssyncadd.s32 $0xFFFFB000  }
.LBB2_1:
0x20: {  	[tilespmem:s3], [sflag:$0xB] =	stream.linear.gather [hbm4b:s4+s3], $0x6400, $0x38;
	[tilespmem:$0x1F400] =	vst v63  }
0x21: {  	_ =	swait.ge [sflag:s8], $0x6400  }
0x22: {  	[sflag:s8] =	ssyncset.done $0x0  }
0x23: {  	[sflag:s8] =	ssyncadd.s32 $0xFFFF9C00  }
0x24: {  	[tilespmem:s10], [sflag:$0x1] =	stream.indirect.gather [hbm4b:s2+s9], $0x80, s3, s9, $0xb8;
	[tilespmem:$0x1F400] =	vst v63  }
0x25: {  	_ = 	snop  }
0x26: {  	[tilespmem:s11], [sflag:$0x2] =	stream.indirect.gather [hbm4b:s2+s9], $0x80, s9, s9, $0xb8;
	[tilespmem:$0x1F400] =	vst v63  }
0x27: {  	s0 =	simm.s32 $0x140;
	s1 =	simm.s32 $0x10400  }
0x28: {  	[tilespmem:s1], [sflag:$0x3] =	stream.indirect.gather [hbm4b:s2+s9], $0x80, s0, s9, $0xb8;
	[tilespmem:$0x1F400] =	vst v63  }
0x29: {  	s28 =	smov.u32 s7;
	s29 =	simm.s32 $0x0  }
0x2a: {  	[tilespmem:s15], [sflag:$0x4] =	stream.indirect.gather [hbm4b:s2+s9], $0x80, s14, s9, $0xb8;
	[tilespmem:$0x1F400] =	vst v63  }
.LBB2_2:
0x2b: {  	_ =	swait.ge [sflag:s16], $0x5000  }
0x2c: {  	p0 =	seq.s32 s29, $0x0;
	[sflag:s16] =	ssyncset.done $0x0  }
0x2d: {  	s30 =	sadd.s32 $0xFFFFEC00, s28;
	s31 =	simm.s32 @!p0 $0xA;
	[sflag:s16] =	ssyncadd.s32 $0xFFFFB000  }
0x2e: {  	[hbm4b:s30+s3] =	stream.linear.scatter [tilespmem:s10], [sflag:$0x6], $0x5000, $0x38;
	[tilespmem:$0x1F400] =	vst v63  }
0x2f: {  	_ =	swait.ge @!p0 [sflag:s31], $0x5000  }
0x30: {  	s30 =	sshra.s32 s29, $0x2;
	[sflag:s31] =	ssyncset.done @!p0 $0x0  }
0x31: {  	s1 =	sadd.s32 $0x280, s30;
	[sflag:s31] =	ssyncadd.s32 @!p0 $0xFFFFB000  }
0x32: {  	[tilespmem:s17], [sflag:$0x5] =	stream.indirect.gather [hbm4b:s2+s9], $0x80, s1, s9, $0xb8;
	[tilespmem:$0x1F400] =	vst v63  }
0x33: {  	_ =	swait.ge [sflag:s18], $0x5000  }
0x34: {  	p0 =	seq.s32 s29, $0x18380;
	[sflag:s18] =	ssyncset.done $0x0  }
0x35: {  	s12 =	sadd.s32 $0xFFFFF600, s28;
	s31 =	simm.s32 @p0 $0x3;
	[sflag:s18] =	ssyncadd.s32 $0xFFFFB000  }
0x36: {  	[hbm4b:s12+s3] =	stream.linear.scatter [tilespmem:s11], [sflag:$0x7], $0x5000, $0x38;
	[tilespmem:$0x1F400] =	vst v63  }
0x37: {  	_ =	swait.ge @p0 [sflag:s31], $0x5000  }
0x38: {  	[sflag:s31] =	ssyncset.done @p0 $0x0  }
0x39: {  	s1 =	simm.s32 @p0 $0x10400;
	[sflag:s31] =	ssyncadd.s32 @p0 $0xFFFFB000;
	s31 =	simm.s32 @p0 $0x0  }
0x3a: {  	[hbm4b:s6+s31] =	stream.linear.scatter @p0 [tilespmem:s1], [sflag:$0x8], $0x5000, $0x38;
	[tilespmem:$0x1F400] =	vst v63  }
0x3b: {  	s1 =	simm.s32 @!p0 $0x6  }
0x3c: {  	_ =	swait.ge @!p0 [sflag:s1], $0x5000  }
0x3d: {  	[sflag:s1] =	ssyncset.done @!p0 $0x0  }
0x3e: {  	[sflag:s1] =	ssyncadd.s32 @!p0 $0xFFFFB000;
	s1 =	sshra.s32 @!p0 s29, $0x2  }
0x3f: {  	s0 =	simm.s32 @!p0 $0xA0;
	s12 =	simm.s32 @!p0 $0x6400;
	s31 =	sadd.s32 @!p0 $0x320, s1  }
0x40: {  	[tilespmem:s12], [sflag:$0x1] =	stream.indirect.gather @!p0 [hbm4b:s2+s0], $0x80, s31, s0, $0xb8;
	[tilespmem:$0x1F400] =	vst v63  }
0x41: {  	s12 =	simm.s32 @!p0 $0x3  }
0x42: {  	_ =	swait.ge @!p0 [sflag:s12], $0x5000  }
0x43: {  	[sflag:s12] =	ssyncset.done @!p0 $0x0  }
0x44: {  	s31 =	simm.s32 @!p0 $0x10400;
	[sflag:s12] =	ssyncadd.s32 @!p0 $0xFFFFB000;
	s12 =	simm.s32 @!p0 $0x0  }
0x45: {  	[hbm4b:s28+s12] =	stream.linear.scatter @!p0 [tilespmem:s31], [sflag:$0x8], $0x5000, $0x38;
	[tilespmem:$0x1F400] =	vst v63  }
0x46: {  	s12 =	simm.s32 @!p0 $0x7  }
0x47: {  	_ =	swait.ge @!p0 [sflag:s12], $0x5000  }
0x48: {  	[sflag:s12] =	ssyncset.done @!p0 $0x0  }
0x49: {  	s13 =	simm.s32 @!p0 $0xB400;
	[sflag:s12] =	ssyncadd.s32 @!p0 $0xFFFFB000;
	s12 =	sadd.s32 @!p0 $0x3C0, s1  }
0x4a: {  	[tilespmem:s13], [sflag:$0x2] =	stream.indirect.gather @!p0 [hbm4b:s2+s0], $0x80, s12, s0, $0xb8;
	[tilespmem:$0x1F400] =	vst v63  }
0x4b: {  	_ =	swait.ge [sflag:s19], $0x5000  }
0x4c: {  	[sflag:s19] =	ssyncset.done $0x0  }
0x4d: {  	s13 =	sadd.s32 $0xA00, s28;
	s12 =	simm.s32 @!p0 $0x8;
	[sflag:s19] =	ssyncadd.s32 $0xFFFFB000  }
0x4e: {  	[hbm4b:s13+s3] =	stream.linear.scatter [tilespmem:s15], [sflag:$0x9], $0x5000, $0x38;
	[tilespmem:$0x1F400] =	vst v63  }
0x4f: {  	_ =	swait.ge @!p0 [sflag:s12], $0x5000  }
0x50: {  	[sflag:s12] =	ssyncset.done @!p0 $0x0  }
0x51: {  	s1 =	sadd.s32 @!p0 $0x460, s1;
	[sflag:s12] =	ssyncadd.s32 @!p0 $0xFFFFB000  }
0x52: {  	[tilespmem:s31], [sflag:$0x3] =	stream.indirect.gather @!p0 [hbm4b:s2+s0], $0x80, s1, s0, $0xb8;
	[tilespmem:$0x1F400] =	vst v63  }
.Ltmp2:
0x53: {  	_ = 	snop;
	(pc) =	sbr.rel @p0 .LBB2_4-.Ltmp2, $4  }
0x54: {  	_ =	swait.ge [sflag:s20], $0x5000  }
0x55: {  	[sflag:s20] =	ssyncset.done $0x0  }
0x56: {  	s31 =	sadd.s32 $0x1400, s28;
	[sflag:s20] =	ssyncadd.s32 $0xFFFFB000  }
0x57: {  	[hbm4b:s31+s3] =	stream.linear.scatter [tilespmem:s17], [sflag:$0xA], $0x5000, $0x38;
	[tilespmem:$0x1F400] =	vst v63  }
.Ltmp3:
0x58: {  	(pc) =	sbr.rel .LBB2_2-.Ltmp3, $4  }
0x59: {  	_ =	swait.ge [sflag:s24], $0x5000  }
0x5a: {  	s0 =	sadd.s32 $0x500, s30;
	[sflag:s24] =	ssyncset.done $0x0  }
0x5b: {  	s29 =	sadd.s32 $0xC80, s29;
	s28 =	sadd.s32 $0x3200, s28;
	[sflag:s24] =	ssyncadd.s32 $0xFFFFB000  }
0x5c: {  	[tilespmem:s15], [sflag:$0x4] =	stream.indirect.gather [hbm4b:s2+s9], $0x80, s0, s9, $0xb8;
	[tilespmem:$0x1F400] =	vst v63  }
.LBB2_5:
0x5d: {  	_ =	sfence.sel $0x180000  }
0x5e: {  	[bflag:$0x0] =	sbarrier.arrive $0xFFFF  }
0x5f: {  	_ =	strace $0x90000047  }
0x60: {  	s0 =	stileid.u32;
	[bflag:$0x2] =	sbarrier.arrive $0xFFFF  }
0x61: {  	p0 =	sne.s32 s0, $0x0;
	s0 =	rddreg [dreg:$0x3]  }
0x62: {  	s0 =	sadd.s32 @!p0 $0x100000, s0  }
0x63: {  	[sflag:s0] =	ssyncadd.tile.s32 @!p0 $0x1;
	_ =	shalt  }
.Lfunc_end2:
_tile_overlayer_lowered:
.L_overlay_start_2:
0x64: {  	(tag) =	ssettag $0x2  }
0x65: {  	s0 =	rddreg [dreg:$0x0];
	s2 =	stileid.u32  }
0x66: {  	s1 =	rddreg [dreg:$0x1];
	p0 =	sne.s32 s2, $0x0  }
0x67: {  	s3 =	rddreg [dreg:$0x2];
	[bflag:$0x3] =	sbarrier.arrive $0xFFFF;
	s2 =	simm.s32 @!p0 $0x1C0B  }
0x68: {  	[timem:s3], [sflag:s2] =	dma.local @!p0 [hbm:s0], s1  }
0x69: {  	s0 =	simm.s32 @!p0 $0xB  }
0x6a: {  	_ =	swait.ge @!p0 [sflag:s0], s1  }
0x6b: {  	s1 =	ssub.s32 @!p0 $0x0, s1;
	[sflag:s0] =	ssyncset.done @!p0 $0x0  }
0x6c: {  	[sflag:s0] =	ssyncadd.s32 @!p0 s1  }
0x6d: {  	[bflag:$0x3] =	sbarrier.arrive $0xFFFF  }
0x6e: {  	_ =	shalt  }

</sc_bundles>
